<compile_context>
chip_gen: v7x
topology: tpu7x:2x2x1
jax: 0.10.2.dev20260603
libtpu: 0.0.44.dev20260713+nightly
codegen_flags: <defaults>
</compile_context>

<pallas_src>
import functools
import math

import jax
import jax.numpy as jnp
from jax import lax
from jax.experimental import pallas as pl
from jax.experimental.pallas import tpu as pltpu
from jax.experimental.pallas import tpu_sc as plsc

_LANES = 16
_CH = 8
_NBUF = 15


@functools.cache
def _build(BATCH, SEQ, D, scale):
    info = plsc.get_sparse_core_info()
    NC, NS = info.num_cores, info.num_subcores
    NW = NC * NS
    B = BATCH * SEQ
    assert B % NW == 0
    b_per_w = B // NW
    assert SEQ % b_per_w == 0
    w_per_row = SEQ // b_per_w
    CH, NBUF = _CH, _NBUF
    assert b_per_w % CH == 0
    n_chunks = b_per_w // CH

    def bmod(j):
        if NBUF & (NBUF - 1) == 0:
            return j & (NBUF - 1)
        return lax.rem(j, NBUF)
    mesh = plsc.VectorSubcoreMesh(core_axis_name="c", subcore_axis_name="s")

    @functools.partial(
        pl.kernel,
        mesh=mesh,
        out_type=jax.ShapeDtypeStruct((BATCH, SEQ, D), jnp.float32),
        scratch_types=[
            pltpu.VMEM((b_per_w,), jnp.int32),
            pltpu.VMEM((NBUF, CH, D), jnp.float32),
            pltpu.SemaphoreType.DMA((NBUF,)),
            pltpu.SemaphoreType.DMA((NBUF,)),
        ],
    )
    def emb(idx_hbm, table_hbm, out_hbm, idx_v, rows_v, gsem, ssem):
        wid = lax.axis_index("s") * NC + lax.axis_index("c")
        row = wid // w_per_row
        col = (wid % w_per_row) * b_per_w
        pltpu.sync_copy(idx_hbm.at[row, pl.ds(col, b_per_w)], idx_v)

        def gather(j, b):
            return pltpu.make_async_copy(
                table_hbm.at[idx_v.at[pl.ds(j * CH, CH)]],
                rows_v.at[b],
                gsem.at[b],
            )

        def scatter(j, b):
            return pltpu.make_async_copy(
                rows_v.at[b],
                out_hbm.at[row, pl.ds(col + j * CH, CH)],
                ssem.at[b],
            )

        @pl.loop(0, NBUF - 1)
        def _(j):
            gather(j, bmod(j)).start()

        @pl.loop(0, n_chunks)
        def _(j):
            b = bmod(j)
            pb = bmod(j + NBUF - 1)
            nxt = j + NBUF - 1

            @pl.when(nxt < n_chunks)
            def _():
                @pl.when(nxt >= NBUF)
                def _():
                    scatter(nxt - NBUF, pb).wait()

                gather(nxt, pb).start()

            gather(j, b).wait()

            @plsc.parallel_loop(0, CH)
            def _(r):
                @plsc.parallel_loop(0, D, step=_LANES, unroll=8)
                def _(c):
                    rows_v[b, r, pl.ds(c, _LANES)] = (
                        rows_v[b, r, pl.ds(c, _LANES)] * jnp.float32(scale)
                    )

            scatter(j, b).start()

        @pl.loop(n_chunks - NBUF, n_chunks)
        def _(j):
            scatter(j, bmod(j)).wait()

    return emb


def kernel(x, table):
    BATCH, SEQ = x.shape
    V, D = table.shape
    scale = float(math.sqrt(D))
    return _build(BATCH, SEQ, D, scale)(x.astype(jnp.int32), table)

# --- scband reference (transcript-rebuilt; emitter-appended) ---
"""Pipeline reference for scband-input-embedding-46334107189706 (READ-ONLY COPY).

The authoritative reference and input builder live on the scoring server;
editing this copy changes nothing except your own understanding.
"""

import jax, jax.numpy as jnp
import numpy as np

VOCAB = 100000
D_MODEL = 1024
BATCH = 4
SEQ = 2048

def setup_inputs(seed: int = 0) -> dict:
    key = jax.random.key(seed)
    k_x, k_tab = jax.random.split(key)
    x = jax.random.randint(k_x, (BATCH, SEQ), 0, VOCAB, dtype=jnp.int64 if jax.config.jax_enable_x64 else jnp.int32)
    table = jax.random.normal(k_tab, (VOCAB, D_MODEL), dtype=jnp.float32)
    return {"x": x, "table": table}

def reference(x, table):
    # nn.Embedding lookup scaled by sqrt(d_model)
    emb = jnp.take(table, x, axis=0)
    return emb * jnp.sqrt(jnp.float32(D_MODEL))

if __name__ == "__main__":
    import jax
    _d = setup_inputs()
    print(jax.jit(kernel)(*tuple(_d.values())))

</pallas_src>

<mosaic_0001>
#map = affine_map<(d0, d1) -> (0, 0)>
#map1 = affine_map<(d0, d1) -> (0, 0, 0)>
module attributes {stable_mosaic.version = 14 : i64} {
  func.func @emb(%arg0: i32, %arg1: i32, %arg2: memref<4x2048xi32, #tpu.memory_space<hbm>>, %arg3: memref<100000x1024xf32, #tpu.memory_space<hbm>>, %arg4: memref<4x2048x1024xf32, #tpu.memory_space<hbm>>, %arg5: memref<256xi32, #tpu.memory_space<vmem>>, %arg6: memref<15x8x1024xf32, #tpu.memory_space<vmem>>, %arg7: memref<15x!tpu.dma_semaphore, #tpu.memory_space<semaphore_mem>>, %arg8: memref<15x!tpu.dma_semaphore, #tpu.memory_space<semaphore_mem>>) attributes {dimension_semantics = [#tpu.dimension_semantics<core_parallel>, #tpu.dimension_semantics<subcore_parallel>], iteration_bounds = array<i64: 2, 16>, scalar_prefetch = 0 : i64, scratch_operands = 4 : i64, tpu.core_type = #tpu.core_type<sc_vector_subcore>, window_params = [{transform_indices = #map}, {transform_indices = #map}, {transform_indices = #map1}]} {
    %mul3A = arith.constant 2 : i32
    %mul3A_0 = arith.muli %arg1, %mul3A : i32
    %add3A = arith.addi %mul3A_0, %arg0 : i32
    %jit3A = arith.constant 8 : i32
    %div3A = arith.divsi %add3A, %jit3A : i32
    %sign3A = arith.constant 0 : i32
    %sign3A_1 = arith.cmpi sgt, %add3A, %sign3A : i32
    %sign3A_2 = arith.extui %sign3A_1 : i1 to i32
    %sign3A_3 = arith.constant 0 : i32
    %sign3A_4 = arith.cmpi slt, %add3A, %sign3A_3 : i32
    %sign3A_5 = arith.extui %sign3A_4 : i1 to i32
    %sign3A_6 = arith.subi %sign3A_2, %sign3A_5 : i32
    %sign3A_7 = arith.constant 0 : i32
    %sign3A_8 = arith.cmpi sgt, %jit3A, %sign3A_7 : i32
    %sign3A_9 = arith.extui %sign3A_8 : i1 to i32
    %sign3A_10 = arith.constant 0 : i32
    %sign3A_11 = arith.cmpi slt, %jit3A, %sign3A_10 : i32
    %sign3A_12 = arith.extui %sign3A_11 : i1 to i32
    %sign3A_13 = arith.subi %sign3A_9, %sign3A_12 : i32
    %ne3A = arith.cmpi ne, %sign3A_6, %sign3A_13 : i32
    %rem3A = arith.remsi %add3A, %jit3A : i32
    %ne3A_14 = arith.constant 0 : i32
    %ne3A_15 = arith.cmpi ne, %rem3A, %ne3A_14 : i32
    %and3A = arith.andi %ne3A, %ne3A_15 : i1
    %sub3A = arith.constant 1 : i32
    %sub3A_16 = arith.subi %div3A, %sub3A : i32
    %select_n3A = arith.select %and3A, %sub3A_16, %div3A : i32
    %jit3A_17 = arith.constant 8 : i32
    %eq3A = arith.constant 0 : i32
    %eq3A_18 = arith.cmpi eq, %jit3A_17, %eq3A : i32
    %jit3A_19 = arith.constant 1 : i32
    %select_n3A_20 = arith.select %eq3A_18, %jit3A_19, %jit3A_17 : i32
    %rem3A_21 = arith.remsi %add3A, %select_n3A_20 : i32
    %ne3A_22 = arith.constant 0 : i32
    %ne3A_23 = arith.cmpi ne, %rem3A_21, %ne3A_22 : i32
    %lt3A = arith.constant 0 : i32
    %lt3A_24 = arith.cmpi slt, %rem3A_21, %lt3A : i32
    %lt3A_25 = arith.constant 0 : i32
    %lt3A_26 = arith.cmpi slt, %select_n3A_20, %lt3A_25 : i32
    %ne3A_27 = arith.xori %lt3A_24, %lt3A_26 : i1
    %and3A_28 = arith.andi %ne3A_27, %ne3A_23 : i1
    %add3A_29 = arith.addi %rem3A_21, %select_n3A_20 : i32
    %select_n3A_30 = arith.select %and3A_28, %add3A_29, %rem3A_21 : i32
    %mul3A_31 = arith.constant 256 : i32
    %mul3A_32 = arith.muli %select_n3A_30, %mul3A_31 : i32
    "tpu.region"() ({
      %run_scoped3A = tpu.sem_alloc : memref<!tpu.dma_semaphore, #tpu.memory_space<semaphore_mem>>
      %dma_start3A = tpu.memref_slice %arg2[%select_n3A, %mul3A_32] : memref<4x2048xi32, #tpu.memory_space<hbm>> -> memref<1x256xi32, #tpu.memory_space<hbm>>
      %dma_start3A_47 = tpu.memref_squeeze %dma_start3A : memref<1x256xi32, #tpu.memory_space<hbm>> -> memref<256xi32, #tpu.memory_space<hbm>>
      %dma_start3A_48 = tpu.memref_slice %arg2[%select_n3A, %mul3A_32] : memref<4x2048xi32, #tpu.memory_space<hbm>> -> memref<1x256xi32, #tpu.memory_space<hbm>>
      %dma_start3A_49 = tpu.memref_squeeze %dma_start3A_48 : memref<1x256xi32, #tpu.memory_space<hbm>> -> memref<256xi32, #tpu.memory_space<hbm>>
      tpu.enqueue_dma source(%dma_start3A_49 : memref<256xi32, #tpu.memory_space<hbm>>) target(%arg5 : memref<256xi32, #tpu.memory_space<vmem>>) target_semaphore(%run_scoped3A : memref<!tpu.dma_semaphore, #tpu.memory_space<semaphore_mem>>)
      %dma_wait3A = tpu.memref_slice %arg2[%select_n3A, %mul3A_32] : memref<4x2048xi32, #tpu.memory_space<hbm>> -> memref<1x256xi32, #tpu.memory_space<hbm>>
      %dma_wait3A_50 = tpu.memref_squeeze %dma_wait3A : memref<1x256xi32, #tpu.memory_space<hbm>> -> memref<256xi32, #tpu.memory_space<hbm>>
      %dma_wait3A_51 = tpu.memref_slice %arg2[%select_n3A, %mul3A_32] : memref<4x2048xi32, #tpu.memory_space<hbm>> -> memref<1x256xi32, #tpu.memory_space<hbm>>
      %dma_wait3A_52 = tpu.memref_squeeze %dma_wait3A_51 : memref<1x256xi32, #tpu.memory_space<hbm>> -> memref<256xi32, #tpu.memory_space<hbm>>
      tpu.wait_dma2 semaphore(%run_scoped3A : memref<!tpu.dma_semaphore, #tpu.memory_space<semaphore_mem>>) src(%dma_wait3A_52 : memref<256xi32, #tpu.memory_space<hbm>>) dst(%arg5 : memref<256xi32, #tpu.memory_space<vmem>>)
      tpu.yield
    }) : () -> ()
    %scan3A = arith.constant 0 : i32
    %scan3A_33 = arith.constant 14 : i32
    %scan3A_34 = arith.addi %scan3A, %scan3A_33 : i32
    %scan3A_35 = arith.constant 1 : i32
    scf.for %scan3A_47 = %scan3A to %scan3A_34 step %scan3A_35  : i32 {
      %mul3A_48 = arith.constant 1 : i32
      %mul3A_49 = arith.muli %scan3A_47, %mul3A_48 : i32
      %add3A_50 = arith.constant 0 : i32
      %add3A_51 = arith.addi %add3A_50, %mul3A_49 : i32
      %rem3A_52 = arith.constant 15 : i32
      %rem3A_53 = arith.remsi %add3A_51, %rem3A_52 : i32
      %mul3A_54 = arith.constant 8 : i32
      %mul3A_55 = arith.muli %add3A_51, %mul3A_54 : i32
      %dma_start3A = arith.constant 0 : i32
      %dma_start3A_56 = arith.constant 0 : i32
      %dma_start3A_57 = tpu.memref_slice %arg6[%rem3A_53, %dma_start3A, %dma_start3A_56] : memref<15x8x1024xf32, #tpu.memory_space<vmem>> -> memref<1x8x1024xf32, #tpu.memory_space<vmem>>
      %dma_start3A_58 = tpu.memref_squeeze %dma_start3A_57 : memref<1x8x1024xf32, #tpu.memory_space<vmem>> -> memref<8x1024xf32, #tpu.memory_space<vmem>>
      %dma_start3A_59 = tpu.memref_slice %arg5[%mul3A_55] : memref<256xi32, #tpu.memory_space<vmem>> -> memref<8xi32, #tpu.memory_space<vmem>>
      %dma_start3A_60 = arith.constant 0 : i32
      %dma_start3A_61 = arith.constant 0 : i32
      %dma_start3A_62 = tpu.memref_slice %arg3[%dma_start3A_60, %dma_start3A_61] : memref<100000x1024xf32, #tpu.memory_space<hbm>> -> memref<100000x1024xf32, #tpu.memory_space<hbm>>
      %dma_start3A_63 = tpu.memref_slice %arg7[%rem3A_53] : memref<15x!tpu.dma_semaphore, #tpu.memory_space<semaphore_mem>> -> memref<1x!tpu.dma_semaphore, #tpu.memory_space<semaphore_mem>>
      %dma_start3A_64 = tpu.memref_squeeze %dma_start3A_63 : memref<1x!tpu.dma_semaphore, #tpu.memory_space<semaphore_mem>> -> memref<!tpu.dma_semaphore, #tpu.memory_space<semaphore_mem>>
      tpu.enqueue_indirect_dma source(%dma_start3A_62 : memref<100000x1024xf32, #tpu.memory_space<hbm>>) target(%dma_start3A_58 : memref<8x1024xf32, #tpu.memory_space<vmem>>) offsets(%dma_start3A_59 : memref<8xi32, #tpu.memory_space<vmem>>) semaphore(%dma_start3A_64 : memref<!tpu.dma_semaphore, #tpu.memory_space<semaphore_mem>>)
    }
    %scan3A_36 = arith.constant 14 : i32
    %scan3A_37 = arith.constant 0 : i32
    %scan3A_38 = arith.constant 32 : i32
    %scan3A_39 = arith.addi %scan3A_37, %scan3A_38 : i32
    %scan3A_40 = arith.constant 1 : i32
    scf.for %scan3A_47 = %scan3A_37 to %scan3A_39 step %scan3A_40  : i32 {
      %mul3A_48 = arith.constant 1 : i32
      %mul3A_49 = arith.muli %scan3A_47, %mul3A_48 : i32
      %add3A_50 = arith.constant 0 : i32
      %add3A_51 = arith.addi %add3A_50, %mul3A_49 : i32
      %rem3A_52 = arith.constant 15 : i32
      %rem3A_53 = arith.remsi %add3A_51, %rem3A_52 : i32
      %add3A_54 = arith.constant 15 : i32
      %add3A_55 = arith.addi %add3A_51, %add3A_54 : i32
      %sub3A_56 = arith.constant 1 : i32
      %sub3A_57 = arith.subi %add3A_55, %sub3A_56 : i32
      %rem3A_58 = arith.constant 15 : i32
      %rem3A_59 = arith.remsi %sub3A_57, %rem3A_58 : i32
      %add3A_60 = arith.constant 15 : i32
      %add3A_61 = arith.addi %add3A_51, %add3A_60 : i32
      %sub3A_62 = arith.constant 1 : i32
      %sub3A_63 = arith.subi %add3A_61, %sub3A_62 : i32
      %lt3A_64 = arith.constant 32 : i32
      %lt3A_65 = arith.cmpi slt, %sub3A_63, %lt3A_64 : i32
      %convert_element_type3A = arith.extui %lt3A_65 : i1 to i32
      %cond3A = arith.constant 0 : i32
      %cond3A_66 = arith.cmpi ne, %convert_element_type3A, %cond3A : i32
      scf.if %cond3A_66 {
        %ge3A = arith.constant 15 : i32
        %ge3A_98 = arith.cmpi sge, %sub3A_63, %ge3A : i32
        %convert_element_type3A_99 = arith.extui %ge3A_98 : i1 to i32
        %cond3A_100 = arith.constant 0 : i32
        %cond3A_101 = arith.cmpi ne, %convert_element_type3A_99, %cond3A_100 : i32
        scf.if %cond3A_101 {
          %sub3A_114 = arith.constant 15 : i32
          %sub3A_115 = arith.subi %sub3A_63, %sub3A_114 : i32
          %mul3A_116 = arith.constant 8 : i32
          %mul3A_117 = arith.muli %sub3A_115, %mul3A_116 : i32
          %add3A_118 = arith.addi %mul3A_32, %mul3A_117 : i32
          %dma_wait3A_119 = arith.constant 0 : i32
          %dma_wait3A_120 = arith.constant 0 : i32
          %dma_wait3A_121 = tpu.memref_slice %arg6[%rem3A_59, %dma_wait3A_119, %dma_wait3A_120] : memref<15x8x1024xf32, #tpu.memory_space<vmem>> -> memref<1x8x1024xf32, #tpu.memory_space<vmem>>
          %dma_wait3A_122 = tpu.memref_squeeze %dma_wait3A_121 : memref<1x8x1024xf32, #tpu.memory_space<vmem>> -> memref<8x1024xf32, #tpu.memory_space<vmem>>
          %dma_wait3A_123 = arith.constant 0 : i32
          %dma_wait3A_124 = tpu.memref_slice %arg4[%select_n3A, %add3A_118, %dma_wait3A_123] : memref<4x2048x1024xf32, #tpu.memory_space<hbm>> -> memref<1x8x1024xf32, #tpu.memory_space<hbm>>
          %dma_wait3A_125 = tpu.memref_squeeze %dma_wait3A_124 : memref<1x8x1024xf32, #tpu.memory_space<hbm>> -> memref<8x1024xf32, #tpu.memory_space<hbm>>
          %dma_wait3A_126 = tpu.memref_slice %arg8[%rem3A_59] : memref<15x!tpu.dma_semaphore, #tpu.memory_space<semaphore_mem>> -> memref<1x!tpu.dma_semaphore, #tpu.memory_space<semaphore_mem>>
          %dma_wait3A_127 = tpu.memref_squeeze %dma_wait3A_126 : memref<1x!tpu.dma_semaphore, #tpu.memory_space<semaphore_mem>> -> memref<!tpu.dma_semaphore, #tpu.memory_space<semaphore_mem>>
          %dma_wait3A_128 = arith.constant 0 : i32
          %dma_wait3A_129 = tpu.memref_slice %arg4[%select_n3A, %add3A_118, %dma_wait3A_128] : memref<4x2048x1024xf32, #tpu.memory_space<hbm>> -> memref<1x8x1024xf32, #tpu.memory_space<hbm>>
          %dma_wait3A_130 = tpu.memref_squeeze %dma_wait3A_129 : memref<1x8x1024xf32, #tpu.memory_space<hbm>> -> memref<8x1024xf32, #tpu.memory_space<hbm>>
          %dma_wait3A_131 = arith.constant 0 : i32
          %dma_wait3A_132 = arith.constant 0 : i32
          %dma_wait3A_133 = tpu.memref_slice %arg6[%rem3A_59, %dma_wait3A_131, %dma_wait3A_132] : memref<15x8x1024xf32, #tpu.memory_space<vmem>> -> memref<1x8x1024xf32, #tpu.memory_space<vmem>>
          %dma_wait3A_134 = tpu.memref_squeeze %dma_wait3A_133 : memref<1x8x1024xf32, #tpu.memory_space<vmem>> -> memref<8x1024xf32, #tpu.memory_space<vmem>>
          tpu.wait_dma2 semaphore(%dma_wait3A_127 : memref<!tpu.dma_semaphore, #tpu.memory_space<semaphore_mem>>) src(%dma_wait3A_134 : memref<8x1024xf32, #tpu.memory_space<vmem>>) dst(%dma_wait3A_130 : memref<8x1024xf32, #tpu.memory_space<hbm>>)
        } else {
        }
        %mul3A_102 = arith.constant 8 : i32
        %mul3A_103 = arith.muli %sub3A_63, %mul3A_102 : i32
        %dma_start3A_104 = arith.constant 0 : i32
        %dma_start3A_105 = arith.constant 0 : i32
        %dma_start3A_106 = tpu.memref_slice %arg6[%rem3A_59, %dma_start3A_104, %dma_start3A_105] : memref<15x8x1024xf32, #tpu.memory_space<vmem>> -> memref<1x8x1024xf32, #tpu.memory_space<vmem>>
        %dma_start3A_107 = tpu.memref_squeeze %dma_start3A_106 : memref<1x8x1024xf32, #tpu.memory_space<vmem>> -> memref<8x1024xf32, #tpu.memory_space<vmem>>
        %dma_start3A_108 = tpu.memref_slice %arg5[%mul3A_103] : memref<256xi32, #tpu.memory_space<vmem>> -> memref<8xi32, #tpu.memory_space<vmem>>
        %dma_start3A_109 = arith.constant 0 : i32
        %dma_start3A_110 = arith.constant 0 : i32
        %dma_start3A_111 = tpu.memref_slice %arg3[%dma_start3A_109, %dma_start3A_110] : memref<100000x1024xf32, #tpu.memory_space<hbm>> -> memref<100000x1024xf32, #tpu.memory_space<hbm>>
        %dma_start3A_112 = tpu.memref_slice %arg7[%rem3A_59] : memref<15x!tpu.dma_semaphore, #tpu.memory_space<semaphore_mem>> -> memref<1x!tpu.dma_semaphore, #tpu.memory_space<semaphore_mem>>
        %dma_start3A_113 = tpu.memref_squeeze %dma_start3A_112 : memref<1x!tpu.dma_semaphore, #tpu.memory_space<semaphore_mem>> -> memref<!tpu.dma_semaphore, #tpu.memory_space<semaphore_mem>>
        tpu.enqueue_indirect_dma source(%dma_start3A_111 : memref<100000x1024xf32, #tpu.memory_space<hbm>>) target(%dma_start3A_107 : memref<8x1024xf32, #tpu.memory_space<vmem>>) offsets(%dma_start3A_108 : memref<8xi32, #tpu.memory_space<vmem>>) semaphore(%dma_start3A_113 : memref<!tpu.dma_semaphore, #tpu.memory_space<semaphore_mem>>)
      } else {
      }
      %mul3A_67 = arith.constant 8 : i32
      %mul3A_68 = arith.muli %add3A_51, %mul3A_67 : i32
      %dma_wait3A = arith.constant 0 : i32
      %dma_wait3A_69 = arith.constant 0 : i32
      %dma_wait3A_70 = tpu.memref_slice %arg6[%rem3A_53, %dma_wait3A, %dma_wait3A_69] : memref<15x8x1024xf32, #tpu.memory_space<vmem>> -> memref<1x8x1024xf32, #tpu.memory_space<vmem>>
      %dma_wait3A_71 = tpu.memref_squeeze %dma_wait3A_70 : memref<1x8x1024xf32, #tpu.memory_space<vmem>> -> memref<8x1024xf32, #tpu.memory_space<vmem>>
      %dma_wait3A_72 = tpu.memref_slice %arg5[%mul3A_68] : memref<256xi32, #tpu.memory_space<vmem>> -> memref<8xi32, #tpu.memory_space<vmem>>
      %dma_wait3A_73 = arith.constant 0 : i32
      %dma_wait3A_74 = arith.constant 0 : i32
      %dma_wait3A_75 = tpu.memref_slice %arg3[%dma_wait3A_73, %dma_wait3A_74] : memref<100000x1024xf32, #tpu.memory_space<hbm>> -> memref<100000x1024xf32, #tpu.memory_space<hbm>>
      %dma_wait3A_76 = tpu.memref_slice %arg7[%rem3A_53] : memref<15x!tpu.dma_semaphore, #tpu.memory_space<semaphore_mem>> -> memref<1x!tpu.dma_semaphore, #tpu.memory_space<semaphore_mem>>
      %dma_wait3A_77 = tpu.memref_squeeze %dma_wait3A_76 : memref<1x!tpu.dma_semaphore, #tpu.memory_space<semaphore_mem>> -> memref<!tpu.dma_semaphore, #tpu.memory_space<semaphore_mem>>
      tpu.wait_indirect_dma semaphore(%dma_wait3A_77 : memref<!tpu.dma_semaphore, #tpu.memory_space<semaphore_mem>>) src(%dma_wait3A_75 : memref<100000x1024xf32, #tpu.memory_space<hbm>>) dst(%dma_wait3A_71 : memref<8x1024xf32, #tpu.memory_space<vmem>>)
      %parallel_loop3A = arith.constant 0 : i32
      %parallel_loop3A_78 = arith.constant 8 : i32
      %parallel_loop3A_79 = arith.constant 1 : i32
      scf.for %parallel_loop3A_98 = %parallel_loop3A to %parallel_loop3A_78 step %parallel_loop3A_79  : i32 {
        %parallel_loop3A_99 = arith.constant 0 : i32
        %parallel_loop3A_100 = arith.constant 1024 : i32
        %parallel_loop3A_101 = arith.constant 16 : i32
        scf.for %parallel_loop3A_102 = %parallel_loop3A_99 to %parallel_loop3A_100 step %parallel_loop3A_101  : i32 {
          %parallel_loop3A_103 = arith.index_cast %rem3A_53 : i32 to index
          %parallel_loop3A_104 = arith.index_cast %parallel_loop3A_98 : i32 to index
          %parallel_loop3A_105 = arith.index_cast %parallel_loop3A_102 : i32 to index
          %parallel_loop3A_106 = tpu.vector_load %arg6[%parallel_loop3A_103, %parallel_loop3A_104, %parallel_loop3A_105] {strides = array<i32>} : memref<15x8x1024xf32, #tpu.memory_space<vmem>>, vector<1x1x16xf32>,
          %parallel_loop3A_107 = vector.shape_cast %parallel_loop3A_106 : vector<1x1x16xf32> to vector<16xf32>
          %parallel_loop3A_108 = arith.constant 3.200000e+01 : f32
          %parallel_loop3A_109 = vector.broadcast %parallel_loop3A_108 : f32 to vector<16xf32>
          %parallel_loop3A_110 = arith.mulf %parallel_loop3A_107, %parallel_loop3A_109 : vector<16xf32>
          %parallel_loop3A_111 = arith.index_cast %rem3A_53 : i32 to index
          %parallel_loop3A_112 = arith.index_cast %parallel_loop3A_98 : i32 to index
          %parallel_loop3A_113 = arith.index_cast %parallel_loop3A_102 : i32 to index
          %parallel_loop3A_114 = tpu.vector_load %arg6[%parallel_loop3A_111, %parallel_loop3A_112, %parallel_loop3A_113] {strides = array<i32>} : memref<15x8x1024xf32, #tpu.memory_space<vmem>>, vector<1x1x16xf32>,
          %parallel_loop3A_115 = vector.shape_cast %parallel_loop3A_114 : vector<1x1x16xf32> to vector<16xf32>
          %parallel_loop3A_116 = vector.shape_cast %parallel_loop3A_110 : vector<16xf32> to vector<1x1x16xf32>
          tpu.vector_store %arg6[%parallel_loop3A_111, %parallel_loop3A_112, %parallel_loop3A_113], %parallel_loop3A_116 {strides = array<i32>} : memref<15x8x1024xf32, #tpu.memory_space<vmem>>, vector<1x1x16xf32>,
        } {sc.loop_unroll_factor = 8 : i64, sc.parallel_access}
      } {sc.loop_unroll_factor = 1 : i64, sc.parallel_access}
      %mul3A_80 = arith.constant 8 : i32
      %mul3A_81 = arith.muli %add3A_51, %mul3A_80 : i32
      %add3A_82 = arith.addi %mul3A_32, %mul3A_81 : i32
      %dma_start3A = arith.constant 0 : i32
      %dma_start3A_83 = arith.constant 0 : i32
      %dma_start3A_84 = tpu.memref_slice %arg6[%rem3A_53, %dma_start3A, %dma_start3A_83] : memref<15x8x1024xf32, #tpu.memory_space<vmem>> -> memref<1x8x1024xf32, #tpu.memory_space<vmem>>
      %dma_start3A_85 = tpu.memref_squeeze %dma_start3A_84 : memref<1x8x1024xf32, #tpu.memory_space<vmem>> -> memref<8x1024xf32, #tpu.memory_space<vmem>>
      %dma_start3A_86 = arith.constant 0 : i32
      %dma_start3A_87 = tpu.memref_slice %arg4[%select_n3A, %add3A_82, %dma_start3A_86] : memref<4x2048x1024xf32, #tpu.memory_space<hbm>> -> memref<1x8x1024xf32, #tpu.memory_space<hbm>>
      %dma_start3A_88 = tpu.memref_squeeze %dma_start3A_87 : memref<1x8x1024xf32, #tpu.memory_space<hbm>> -> memref<8x1024xf32, #tpu.memory_space<hbm>>
      %dma_start3A_89 = tpu.memref_slice %arg8[%rem3A_53] : memref<15x!tpu.dma_semaphore, #tpu.memory_space<semaphore_mem>> -> memref<1x!tpu.dma_semaphore, #tpu.memory_space<semaphore_mem>>
      %dma_start3A_90 = tpu.memref_squeeze %dma_start3A_89 : memref<1x!tpu.dma_semaphore, #tpu.memory_space<semaphore_mem>> -> memref<!tpu.dma_semaphore, #tpu.memory_space<semaphore_mem>>
      %dma_start3A_91 = arith.constant 0 : i32
      %dma_start3A_92 = tpu.memref_slice %arg4[%select_n3A, %add3A_82, %dma_start3A_91] : memref<4x2048x1024xf32, #tpu.memory_space<hbm>> -> memref<1x8x1024xf32, #tpu.memory_space<hbm>>
      %dma_start3A_93 = tpu.memref_squeeze %dma_start3A_92 : memref<1x8x1024xf32, #tpu.memory_space<hbm>> -> memref<8x1024xf32, #tpu.memory_space<hbm>>
      %dma_start3A_94 = arith.constant 0 : i32
      %dma_start3A_95 = arith.constant 0 : i32
      %dma_start3A_96 = tpu.memref_slice %arg6[%rem3A_53, %dma_start3A_94, %dma_start3A_95] : memref<15x8x1024xf32, #tpu.memory_space<vmem>> -> memref<1x8x1024xf32, #tpu.memory_space<vmem>>
      %dma_start3A_97 = tpu.memref_squeeze %dma_start3A_96 : memref<1x8x1024xf32, #tpu.memory_space<vmem>> -> memref<8x1024xf32, #tpu.memory_space<vmem>>
      tpu.enqueue_dma source(%dma_start3A_97 : memref<8x1024xf32, #tpu.memory_space<vmem>>) target(%dma_start3A_93 : memref<8x1024xf32, #tpu.memory_space<hbm>>) target_semaphore(%dma_start3A_90 : memref<!tpu.dma_semaphore, #tpu.memory_space<semaphore_mem>>)
    }
    %scan3A_41 = arith.constant 32 : i32
    %scan3A_42 = arith.constant 0 : i32
    %scan3A_43 = arith.constant 15 : i32
    %scan3A_44 = arith.addi %scan3A_42, %scan3A_43 : i32
    %scan3A_45 = arith.constant 1 : i32
    scf.for %scan3A_47 = %scan3A_42 to %scan3A_44 step %scan3A_45  : i32 {
      %mul3A_48 = arith.constant 1 : i32
      %mul3A_49 = arith.muli %scan3A_47, %mul3A_48 : i32
      %add3A_50 = arith.constant 17 : i32
      %add3A_51 = arith.addi %add3A_50, %mul3A_49 : i32
      %rem3A_52 = arith.constant 15 : i32
      %rem3A_53 = arith.remsi %add3A_51, %rem3A_52 : i32
      %mul3A_54 = arith.constant 8 : i32
      %mul3A_55 = arith.muli %add3A_51, %mul3A_54 : i32
      %add3A_56 = arith.addi %mul3A_32, %mul3A_55 : i32
      %dma_wait3A = arith.constant 0 : i32
      %dma_wait3A_57 = arith.constant 0 : i32
      %dma_wait3A_58 = tpu.memref_slice %arg6[%rem3A_53, %dma_wait3A, %dma_wait3A_57] : memref<15x8x1024xf32, #tpu.memory_space<vmem>> -> memref<1x8x1024xf32, #tpu.memory_space<vmem>>
      %dma_wait3A_59 = tpu.memref_squeeze %dma_wait3A_58 : memref<1x8x1024xf32, #tpu.memory_space<vmem>> -> memref<8x1024xf32, #tpu.memory_space<vmem>>
      %dma_wait3A_60 = arith.constant 0 : i32
      %dma_wait3A_61 = tpu.memref_slice %arg4[%select_n3A, %add3A_56, %dma_wait3A_60] : memref<4x2048x1024xf32, #tpu.memory_space<hbm>> -> memref<1x8x1024xf32, #tpu.memory_space<hbm>>
      %dma_wait3A_62 = tpu.memref_squeeze %dma_wait3A_61 : memref<1x8x1024xf32, #tpu.memory_space<hbm>> -> memref<8x1024xf32, #tpu.memory_space<hbm>>
      %dma_wait3A_63 = tpu.memref_slice %arg8[%rem3A_53] : memref<15x!tpu.dma_semaphore, #tpu.memory_space<semaphore_mem>> -> memref<1x!tpu.dma_semaphore, #tpu.memory_space<semaphore_mem>>
      %dma_wait3A_64 = tpu.memref_squeeze %dma_wait3A_63 : memref<1x!tpu.dma_semaphore, #tpu.memory_space<semaphore_mem>> -> memref<!tpu.dma_semaphore, #tpu.memory_space<semaphore_mem>>
      %dma_wait3A_65 = arith.constant 0 : i32
      %dma_wait3A_66 = tpu.memref_slice %arg4[%select_n3A, %add3A_56, %dma_wait3A_65] : memref<4x2048x1024xf32, #tpu.memory_space<hbm>> -> memref<1x8x1024xf32, #tpu.memory_space<hbm>>
      %dma_wait3A_67 = tpu.memref_squeeze %dma_wait3A_66 : memref<1x8x1024xf32, #tpu.memory_space<hbm>> -> memref<8x1024xf32, #tpu.memory_space<hbm>>
      %dma_wait3A_68 = arith.constant 0 : i32
      %dma_wait3A_69 = arith.constant 0 : i32
      %dma_wait3A_70 = tpu.memref_slice %arg6[%rem3A_53, %dma_wait3A_68, %dma_wait3A_69] : memref<15x8x1024xf32, #tpu.memory_space<vmem>> -> memref<1x8x1024xf32, #tpu.memory_space<vmem>>
      %dma_wait3A_71 = tpu.memref_squeeze %dma_wait3A_70 : memref<1x8x1024xf32, #tpu.memory_space<vmem>> -> memref<8x1024xf32, #tpu.memory_space<vmem>>
      tpu.wait_dma2 semaphore(%dma_wait3A_64 : memref<!tpu.dma_semaphore, #tpu.memory_space<semaphore_mem>>) src(%dma_wait3A_71 : memref<8x1024xf32, #tpu.memory_space<vmem>>) dst(%dma_wait3A_67 : memref<8x1024xf32, #tpu.memory_space<hbm>>)
    }
    %scan3A_46 = arith.constant 15 : i32
    return
  }
}

</mosaic_0001>

<sc_bundles>
// kernel: kernel.3.cloned.1.call-start
scs
__scs_entry_jumppad:
0x0: {  	(pc) =	sbr.rel $0x88, $3  }
0x1: {  	(tag) =	ssettag $0x0;
	lr =	simm.s32 $0x1  }
0x2: {  	[smem:$0x3F9F] =	sst lr;
	_ =	strace $0xD0000000  }
0x3: {  	_ = 	snop  }
0x4: {  	_ = 	snop  }
0x5: {  	_ = 	snop  }
0x6: {  	_ = 	snop  }
0x7: {  	_ = 	snop  }
__scs_overlays_trampoline_lowered:
0x8: {  	[smem:$0x3FAE] =	sst s0  }
0x9: {  	[smem:$0x3FAF] =	sst s1  }
0xa: {  	[smem:$0x3FB0] =	sst s2  }
0xb: {  	[smem:$0x3FB1] =	sst s3  }
0xc: {  	[smem:$0x3FB2] =	sst s4  }
0xd: {  	[smem:$0x3FB3] =	sst s5  }
0xe: {  	[smem:$0x3FB4] =	sst s6  }
0xf: {  	[smem:$0x3FB5] =	sst s7  }
0x10: {  	[smem:$0x3FB6] =	sst s8  }
0x11: {  	[smem:$0x3FB7] =	sst s9;
	s0 =	simm.s32 @!p0 $0x0  }
0x12: {  	s1 =	sld [smem:$0x3F9D];
	s0 =	simm.s32 @p0 $0x1  }
0x13: {  	[smem:$0x3FB8] =	sst s0;
	s0 =	simm.s32 @!p1 $0x0  }
0x14: {  	s2 =	sld [smem:$0x3F9C];
	s0 =	simm.s32 @p1 $0x1  }
0x15: {  	[smem:$0x3FB9] =	sst s0;
	s0 =	simm.s32 @!p2 $0x0  }
0x16: {  	s3 =	sld [smem:$0x3FDB];
	s0 =	simm.s32 @p2 $0x1  }
0x17: {  	s4 =	simm.s32 $0x1BF5;
	[smem:$0x3FBB] =	sst s0  }
0x18: {  	s0 =	sld [smem:$0x3F9E];
	_ =	swait.ge [sflag:s4], $0x0  }
0x19: {  	s7 =	sld [smem:$0x3F9F]  }
0x1a: {  	s8 =	sadd.s32 $0xFFFFE003, lr  }
0x1b: {  	s9 =	sadd.s32 $0xFFFFFEF7, lr;
	s5 =	simm.s32 $0xFFFFFFFF;
	p2 =	slt.u32 s8, $0xFFFFF086  }
0x1c: {  	p1 =	slt.u32 s9, $0xF7A;
	s5 =	simm.s32 @!p2 $0x0  }
0x1d: {  	s5 =	simm.s32 @p1 $0x1;
	p0 =	seq.s32 s7, s2  }
0x1e: {  	s7 =	smul.u32 @!p0 $0xF7A, s2;
	p2 =	seq.s32 @!p0 s5, $0x0  }
0x1f: {  	s9 =	smul.u32 $0xF7A, s1;
	s8 =	simm.s32 @!p0 $0x1BF5;
	p2 =	por !p2, p0  }
0x20: {  	[sflag:s8] =	ssyncset.s32 @!p0 $0xFFFFF086;
	s6 =	sadd.s32 @!p0 s3, s7;
	s7 =	simm.s32 @!p0 $0x108  }
0x21: {  	s3 =	sadd.s32 s3, s9;
	s6 =	sadd.s32 @!p0 $0x88, s6;
	s7 =	simm.s32 @p2 $0x1082  }
0x22: {  	[simem:s7], [sflag:s8] =	dma.local @!p0 [hbm:s6], $0xF7A  }
0x23: {  	s9 =	sor.u32 $0xD0000000, s2;
	s6 =	simm.s32 $0x108;
	_ =	swait.ge @!p0 [sflag:s8], $0x0  }
0x24: {  	s3 =	sadd.s32 $0x88, s3;
	s6 =	simm.s32 @!p1 $0x1082;
	[sflag:s4] =	ssyncset.s32 $0xFFFFF086  }
0x25: {  	[simem:s6], [sflag:s4] =	dma.local [hbm:s3], $0xF7A  }
0x26: {  	[smem:$0x3F9F] =	sst s1;
	(tag) =	ssettag s2;
	_ =	strace s9  }
0x27: {  	s1 =	sld [smem:$0x3FAF]  }
0x28: {  	s2 =	sld [smem:$0x3FB0]  }
0x29: {  	s4 =	sld [smem:$0x3FB2]  }
0x2a: {  	p0 =	seq.s32 s5, $0x0;
	s5 =	sld [smem:$0x3FB3]  }
0x2b: {  	s6 =	sld [smem:$0x3FB4]  }
0x2c: {  	s7 =	sld [smem:$0x3FB5]  }
0x2d: {  	s3 =	simm.s32 $0x108;
	s8 =	sld [smem:$0x3FB6]  }
0x2e: {  	s3 =	simm.s32 @!p0 $0x1082;
	s9 =	sld [smem:$0x3FB7]  }
0x2f: {  	lr =	sadd.s32 s0, s3;
	s0 =	sld [smem:$0x3FAE]  }
0x30: {  	s3 =	sld [smem:$0x3FB1]  }
0x31: {  	[smem:$0x3FBA] =	sst s10  }
0x32: {  	s10 =	sld [smem:$0x3FB8];
	_ =	sdelay $0x3  }
0x33: {  	p0 =	seq.s32 s10, $0x1;
	s10 =	sld [smem:$0x3FBA];
	_ =	sdelay $0x3  }
0x34: {  	[smem:$0x3FBA] =	sst s10  }
0x35: {  	s10 =	sld [smem:$0x3FB9];
	_ =	sdelay $0x3  }
0x36: {  	p1 =	seq.s32 s10, $0x1;
	s10 =	sld [smem:$0x3FBA];
	_ =	sdelay $0x3  }
0x37: {  	[smem:$0x3FBA] =	sst s10  }
0x38: {  	s10 =	sld [smem:$0x3FBB]  }
0x39: {  	_ = 	snop;
	(pc) =	sbr.ind lr, $3  }
0x3a: {  	_ = 	snop  }
0x3b: {  	_ = 	snop  }
0x3c: {  	p2 =	seq.s32 s10, $0x1;
	s10 =	sld [smem:$0x3FBA]  }
0x3d: {  	_ =	shalt  }
0x3e: {  	_ =	shalt  }
0x3f: {  	_ =	shalt  }
0x40: {  	_ =	shalt  }
0x41: {  	_ =	shalt  }
0x42: {  	_ =	shalt  }
0x43: {  	_ =	shalt  }
0x44: {  	_ =	shalt  }
0x45: {  	_ =	shalt  }
0x46: {  	_ =	shalt  }
0x47: {  	_ =	shalt  }
0x48: {  	_ =	shalt  }
0x49: {  	_ =	shalt  }
0x4a: {  	_ =	shalt  }
0x4b: {  	_ =	shalt  }
0x4c: {  	_ =	shalt  }
0x4d: {  	_ =	shalt  }
0x4e: {  	_ =	shalt  }
0x4f: {  	_ =	shalt  }
0x50: {  	_ =	shalt  }
0x51: {  	_ =	shalt  }
0x52: {  	_ =	shalt  }
0x53: {  	_ =	shalt  }
0x54: {  	_ =	shalt  }
0x55: {  	_ =	shalt  }
0x56: {  	_ =	shalt  }
0x57: {  	_ =	shalt  }
0x58: {  	_ =	shalt  }
0x59: {  	_ =	shalt  }
0x5a: {  	_ =	shalt  }
0x5b: {  	_ =	shalt  }
0x5c: {  	_ =	shalt  }
0x5d: {  	_ =	shalt  }
0x5e: {  	_ =	shalt  }
0x5f: {  	_ =	shalt  }
0x60: {  	_ =	shalt  }
0x61: {  	_ =	shalt  }
0x62: {  	_ =	shalt  }
0x63: {  	_ =	shalt  }
0x64: {  	_ =	shalt  }
0x65: {  	_ =	shalt  }
0x66: {  	_ =	shalt  }
0x67: {  	_ =	shalt  }
0x68: {  	_ =	shalt  }
0x69: {  	_ =	shalt  }
0x6a: {  	_ =	shalt  }
0x6b: {  	_ =	shalt  }
0x6c: {  	_ =	shalt  }
0x6d: {  	_ =	shalt  }
0x6e: {  	_ =	shalt  }
0x6f: {  	_ =	shalt  }
0x70: {  	_ =	shalt  }
0x71: {  	_ =	shalt  }
0x72: {  	_ =	shalt  }
0x73: {  	_ =	shalt  }
0x74: {  	_ =	shalt  }
0x75: {  	_ =	shalt  }
0x76: {  	_ =	shalt  }
0x77: {  	_ =	shalt  }
0x78: {  	_ =	shalt  }
0x79: {  	_ =	shalt  }
0x7a: {  	_ =	shalt  }
0x7b: {  	_ =	shalt  }
0x7c: {  	_ =	shalt  }
0x7d: {  	_ =	shalt  }
0x7e: {  	_ =	shalt  }
0x7f: {  	_ =	shalt  }
0x80: {  	_ =	shalt  }
0x81: {  	_ =	shalt  }
0x82: {  	_ =	shalt  }
0x83: {  	_ =	shalt  }
0x84: {  	_ =	shalt  }
0x85: {  	_ =	shalt  }
0x86: {  	_ =	shalt  }
0x87: {  	_ =	shalt  }
.Lfunc_end0:
.L_simem_size_0:
called_computation_lowered:
.L_overlay_start_0:
0x88: {  	s2 =	sld [smem:$0x3FD9]  }
0x89: {  	s3 =	sld [smem:$0x3FFE];
	_ =	sdelay $0x1  }
0x8a: {  	s1 =	srdreg.scid  }
0x8b: {  	s0 =	sand.u32 $0x1, s1  }
0x8c: {  	s18 =	sshll.u32 s0, $0xA;
	s2 =	sadd.s32 s3, s2  }
0x8d: {  	s2 =	sadd.s32 s2, s18  }
0x8e: {  	[smem:$0x3FC6] =	sst s2  }
0x8f: {  	_ = 	snop  }
0x90: {  	s2 =	sld [smem:$0x3FC9]  }
0x91: {  	s19 =	sld [smem:$0x3FC8]  }
0x92: {  	s4 =	sld [smem:$0x3FD0];
	(tm) =	ssettm $0x1  }
0x93: {  	s5 =	sld [smem:$0x3FFB];
	_ =	sdelay $0x3  }
0x94: {  	_ =	strace s5  }
0x95: {  	s5 =	sld [smem:$0x3FFC];
	_ =	sdelay $0x3  }
0x96: {  	_ =	strace s5  }
0x97: {  	s5 =	sld [smem:$0x3FFD];
	_ =	sdelay $0x3  }
0x98: {  	_ =	strace s5  }
0x99: {  	_ =	strace $0x8FFFFFFF  }
0x9a: {  	s20 =	sld [smem:$0x3FDB];
	_ =	sdelay $0x1  }
0x9b: {  	s6 =	simm.s32 $_scs_section_size  }
0x9c: {  	s7 =	simm.s32 $_size__tile_overlayer_lowered;
	s8 =	simm.s32 $_tile_overlayer_lowered  }
0x9d: {  	s23 =	simm.s32 $0x1BFF;
	s22 =	sshll.u32 s8, $0x1;
	s5 =	sadd.s32 s6, s20  }
0x9e: {  	s9 =	simm.s32 $0x0;
	s21 =	sshll.u32 s7, $0x1;
	s7 =	sadd.s32 s22, s5  }
0x9f: {  	[timem:s9], [sflag:s23] =	dma.local [hbm:s7], s21  }
0xa0: {  	_ =	swait.ge [sflag:s23], s21  }
0xa1: {  	s6 =	ssub.s32 $0x0, s21;
	[sflag:s23] =	ssyncset.done $0x0  }
0xa2: {  	[sflag:s23] =	ssyncadd.s32 s6;
	_ =	sdelay $0x1  }
0xa3: {  	s24 =	simm.s32 $0x1B8B  }
0xa4: {  	_ =	swait.ge [sflag:s24], $0x1  }
0xa5: {  	[sflag:s24] =	ssyncset.done $0x0  }
0xa6: {  	s25 =	simm.s32 $0x1B8E;
	[sflag:s24] =	ssyncadd.s32 $0xFFFFFFFF  }
0xa7: {  	s26 =	simm.s32 $execute0_lowered;
	[smem:$0x3FD2] =	sst s25  }
0xa8: {  	s6 =	sshll.u32 s26, $0x1;
	_ =	strace $0x80000046;
	[dreg:$0x1] =	wrdreg $0xFFFFFFFF  }
0xa9: {  	s28 =	simm.s32 $_size_execute0_lowered;
	s5 =	sadd.s32 s5, s6;
	[dreg:$0x0] =	wrdreg $0x0  }
0xaa: {  	s6 =	sshll.u32 s28, $0x1;
	[dreg:$0x2] =	wrdreg s5  }
0xab: {  	[dreg:$0x3] =	wrdreg s6  }
0xac: {  	[dreg:$0x4] =	wrdreg $0xC0  }
0xad: {  	_ =	task [dreg:s9], $0x5FFFF  }
0xae: {  	[dreg:$0x1] =	wrdreg $0xFFFFFFFF  }
0xaf: {  	[dreg:$0x0] =	wrdreg $0x60  }
0xb0: {  	[dreg:$0x2] =	wrdreg s2  }
0xb1: {  	[dreg:$0x3] =	wrdreg s19  }
0xb2: {  	[dreg:$0x4] =	wrdreg s4  }
0xb3: {  	[dreg:$0x5] =	wrdreg $0x9  }
0xb4: {  	_ =	task.clear_ibuf [dreg:s9], $0x6FFFF;
	_ =	strace $0x90000046  }
0xb5: {  	s29 =	simm.s32 $0x9;
	_ =	strace $0x80000048  }
0xb6: {  	_ =	swait.ge [sflag:s29], $0x1  }
0xb7: {  	[sflag:s29] =	ssyncadd.s32 $0xFFFFFFFF  }
0xb8: {  	_ =	strace $0x90000048  }
0xb9: {  	_ =	sfence  }
0xba: {  	s30 =	sld [smem:$0x0];
	_ =	sdelay $0x2  }
0xbb: {  	s31 =	sshll.u32 s1, $0xD;
	s1 =	sshrl.u32 s1, $0x2  }
0xbc: {  	s3 =	sand.u32 $0x4000, s31;
	s1 =	sadd.s32 s1, s30  }
0xbd: {  	s0 =	sor.u32 s3, s0;
	s1 =	sshll.u32 s1, $0x11  }
0xbe: {  	s0 =	sor.u32 s1, s0  }
0xbf: {  	s0 =	sadd.s32 $0x8F2B, s0  }
0xc0: {  	[sflag:s0] =	ssyncadd.remote.s32 $0x1  }
0xc1: {  	_ =	sfence.sel $0xFFFF  }
0xc2: {  	[dreg:$0x0] =	wrdreg $0xFFFFFFFF;
	(pc) =	sbr.abs _section_cstart, $3  }
0xc3: {  	[dreg:$0x1] =	wrdreg $0xFFFFFFFF  }
0xc4: {  	_ =	task.clear_ibuf [dreg:s9], $0x2FFFF;
	_ =	strace $0x9FFFFFFF  }
0xc5: {  	(tm) =	ssettm $0x7FFFFFFF  }
tec
execute0_lowered:
.L_overlay_start_1:
0x0: {  	(tag) =	ssettag $0x1  }
0x1: {  	s4 =	rddreg [dreg:$0x0]  }
0x2: {  	s2 =	rddreg [dreg:$0x1]  }
0x3: {  	s8 =	rddreg [dreg:$0x2]  }
0x4: {  	s0 =	rddreg [dreg:$0x3];
	s3 =	simm.s32 $0x0;
	s1 =	stileid.u32  }
0x5: {  	s5 =	srdreg.scid;
	s12 =	simm.s32 $0x1F;
	s13 =	simm.s32 $0x0  }
0x6: {  	[smem:$0x7FF] =	sst s3;
	s6 =	sshll.u32 s1, $0x1;
	s5 =	sand.u32 $0x1, s5  }
0x7: {  	s7 =	sshrl.u32 s1, $0x2;
	s6 =	sand.u32 $0x6, s6;
	s9 =	ssub.s32 $0x2, s5  }
0x8: {  	s29 =	sshll.u32 s7, $0x4;
	_ =	strace $0x80000047;
	s31 =	sshll.u32 s7, $0x12  }
0x9: {  	s7 =	sadd.s32 $0x300, s2;
	s10 =	sor.u32 s5, s6;
	s30 =	sshrl.u32 s9, $0x1  }
0xa: {  	s4 =	sadd.s32 s4, s29;
	s5 =	sadd.s32 $0x100, s2;
	s6 =	sadd.s32 $0x200, s2  }
0xb: {  	v0 =	vlaneseq.u32;
	s8 =	sadd.s32 s8, s31;
	s11 =	sshll.u32 s10, $0x7;
	s10 =	sshll.u32 s10, $0xF  }
0xc: {  	v1 =	vshrl.u32 v0, $0x3;
	s9 =	ssub.s32 s9, s30;
	s4 =	sadd.s32 s11, s4;
	s8 =	sadd.s32 s10, s8  }
0xd: {  	vm0 =	vmmov $0xffff;
	v0 =	vand.u32 $0x7, v0;
	v1 =	vmul.u32 $0x8, v1;
	s9 =	smax.u32 s9, $0x1;
	s10 =	simm.s32 $0x80;
	s11 =	simm.s32 $0x200  }
.LBB2_1:
0xe: {  	[tilespmem:s3], [sflag:$0x1F] =	stream.strided.gather [hbm4b:s4+s10], $0x100, s11, s10, $0x38;
	[tilespmem:$0x1E100] =	vst v63  }
0xf: {  	_ =	swait.ge [sflag:s12], $0x100  }
0x10: {  	s15 =	simm.s32 $0x1;
	[sflag:s12] =	ssyncset.done $0x0  }
0x11: {  	s16 =	simm.s32 $0x0;
	s17 =	simm.s32 $0x0;
	[sflag:s12] =	ssyncadd.s32 $0xFFFFFF00  }
.LBB2_2:
0x12: {  	v2 =	vld.msk [tilespmem:s16+$0x0], $0xff;
	_ =	sdelay $0x4  }
0x13: {  	v3 =	vshll.u32 v2, $0x3  }
0x14: {  	v2 =	vand.u32 $0x7, v2;
	v3 =	vand.u32 $0xFFFFFFC0, v3  }
0x15: {  	v2 =	vor.u32 v2, v3  }
0x16: {  	v2 =	vperm.xlane v2, v0;
	_ =	sdelay $0x1  }
0x17: {  	v2 =	vadd.s32 v1, v2;
	_ =	sdelay $0x2  }
0x18: {  	s18 =	sshra.s32 s17, $0x2  }
0x19: {  	s14 =	simm.s32 $0x0;
	s19 =	sadd.s32 $0x100, s18  }
0x1a: {  	[tilespmem:s19], [sflag:s15] =	stream.indirect_vreg.gather [hbm4b:s2+s14], $0x80, v2, vm0, $0xb8;
	[tilespmem:$0x1E100] =	vst v63  }
0x1b: {  	p0 =	sne.s32 s17, $0x68000;
	s30 =	sadd.s32 $0x900, s18  }
0x1c: {  	[tilespmem:s30], [sflag:s15] =	stream.indirect_vreg.gather [hbm4b:s5+s14], $0x80, v2, vm0, $0xb8;
	[tilespmem:$0x1E100] =	vst v63  }
.Ltmp0:
0x1d: {  	s31 =	sadd.s32 $0x1100, s18;
	(pc) =	sbr.rel @p0 .LBB2_2-.Ltmp0, $4  }
0x1e: {  	[tilespmem:s31], [sflag:s15] =	stream.indirect_vreg.gather [hbm4b:s6+s14], $0x80, v2, vm0, $0xb8;
	[tilespmem:$0x1E100] =	vst v63  }
0x1f: {  	s18 =	sadd.s32 $0x1900, s18  }
0x20: {  	[tilespmem:s18], [sflag:s15] =	stream.indirect_vreg.gather [hbm4b:s7+s14], $0x80, v2, vm0, $0xb8;
	[tilespmem:$0x1E100] =	vst v63  }
0x21: {  	s16 =	sadd.s32 $0x8, s16;
	s17 =	sadd.s32 $0x8000, s17;
	s15 =	sadd.s32 $0x1, s15  }
0x22: {  	s15 =	simm.s32 $0x140  }
.LBB2_4:
0x23: {  	s16 =	smul.u32 $0x89, s14;
	_ =	sdelay $0x1  }
0x24: {  	s17 =	sadd.s32 $0x77E, s16  }
0x25: {  	s17 =	sshrl.u32 s17, $0xB  }
0x26: {  	s17 =	sand.u32 $0x1F, s17  }
0x27: {  	s17 =	smul.u32 $0xF, s17  }
0x28: {  	s18 =	sadd.s32 $0xE, s14;
	p0 =	sgt.u32 s14, $0x11  }
0x29: {  	p1 =	seq.s32 @!p0 s14, $0x0;
	s17 =	ssub.s32 s18, s17  }
0x2a: {  	p1 =	por p1, p0;
	s17 =	sand.u32 $0xFF, s17  }
0x2b: {  	s19 =	sadd.s32 @!p1 $0x10, s17  }
0x2c: {  	_ =	swait.ge @!p1 [sflag:s19], $0x2000  }
0x2d: {  	s18 =	sshll.u32 @!p0 s18, $0x3;
	[sflag:s19] =	ssyncset.done @!p1 $0x0  }
0x2e: {  	s18 =	sand.u32 @!p0 $0x3FFFFFF8, s18;
	[sflag:s19] =	ssyncadd.s32 @!p1 $0xFFFFE000  }
0x2f: {  	v2 =	vld.msk @!p0 [tilespmem:s18+$0x0], $0xff;
	_ =	sdelay $0x4  }
0x30: {  	v3 =	vshll.u32 @!p0 v2, $0x3  }
0x31: {  	v4 =	vlaneseq.u32 @!p0;
	v2 =	vand.u32 @!p0 $0x7, v2;
	v3 =	vand.u32 @!p0 $0xFFFFFFC0, v3  }
0x32: {  	v2 =	vor.u32 @!p0 v2, v3;
	v3 =	vand.u32 @!p0 $0x7, v4;
	v4 =	vshrl.u32 @!p0 v4, $0x3  }
0x33: {  	v2 =	vperm.xlane @!p0 v2, v3;
	v3 =	vmul.u32 @!p0 $0x8, v4;
	_ =	sdelay $0x1  }
0x34: {  	v2 =	vadd.s32 @!p0 v3, v2;
	_ =	sdelay $0x1  }
0x35: {  	s16 =	sshrl.u32 s16, $0xB  }
0x36: {  	s21 =	simm.s32 @!p0 $0x0;
	s16 =	sand.u32 $0x1F, s16;
	s19 =	sshll.u32 @!p0 s17, $0xD  }
0x37: {  	vm1 =	vmmov @!p0 $0xffff;
	s16 =	smul.u32 $0xF, s16;
	s17 =	sadd.s32 @!p0 $0x1, s17;
	s20 =	sor.u32 @!p0 $0x100, s19  }
0x38: {  	[tilespmem:s20], [sflag:s17] =	stream.indirect_vreg.gather @!p0 [hbm4b:s2+s21], $0x80, v2, vm1, $0xb8;
	[tilespmem:$0x1E100] =	vst v63  }
0x39: {  	s28 =	smulhi.u32 $0x88888889, s14;
	s16 =	ssub.s32 s14, s16;
	s20 =	sor.u32 @!p0 $0x900, s19  }
0x3a: {  	[tilespmem:s20], [sflag:s17] =	stream.indirect_vreg.gather @!p0 [hbm4b:s5+s21], $0x80, v2, vm1, $0xb8;
	[tilespmem:$0x1E100] =	vst v63  }
0x3b: {  	s16 =	sand.u32 $0xFF, s16;
	s18 =	sshrl.u32 s28, $0x3;
	s20 =	sor.u32 @!p0 $0x1100, s19  }
0x3c: {  	[tilespmem:s20], [sflag:s17] =	stream.indirect_vreg.gather @!p0 [hbm4b:s6+s21], $0x80, v2, vm1, $0xb8;
	[tilespmem:$0x1E100] =	vst v63  }
0x3d: {  	s29 =	sadd.s32 $0x1, s16;
	s18 =	smul.u32 $0xFFF88000, s18;
	s19 =	sor.u32 @!p0 $0x1900, s19  }
0x3e: {  	[tilespmem:s19], [sflag:s17] =	stream.indirect_vreg.gather @!p0 [hbm4b:s7+s21], $0x80, v2, vm1, $0xb8;
	[tilespmem:$0x1E100] =	vst v63  }
0x3f: {  	s30 =	sshra.s32 s18, $0x2;
	_ =	swait.ge [sflag:s29], $0x2000  }
0x40: {  	s31 =	sshll.u32 s16, $0xD;
	s18 =	sadd.s32 s30, s15;
	[sflag:s29] =	ssyncset.done $0x0  }
0x41: {  	s17 =	sor.u32 $0x100, s31;
	s19 =	simm.s32 $0x0;
	[sflag:s29] =	ssyncadd.s32 $0xFFFFE000  }
.LBB2_5:
0x42: {  	v4 =	vld [tilespmem:s18+$0x30]  }
0x43: {  	v6 =	vld [tilespmem:s18+$0xFFFFFFD0]  }
0x44: {  	v8 =	vld [tilespmem:s18+$0xFFFFFFE0]  }
0x45: {  	v5 =	vld [tilespmem:s18+$0xFFFFFFF0]  }
0x46: {  	v3 =	vld [tilespmem:s18+$0x0]  }
0x47: {  	v2 =	vld [tilespmem:s18+$0x10];
	v9 =	vmul.f32 $3.200000000e+01, v4  }
0x48: {  	v4 =	vld [tilespmem:s18+$0x20];
	v7 =	vmul.f32 $3.200000000e+01, v6  }
0x49: {  	s21 =	simm.s32 $0x0;
	s22 =	sadd.s32 $0x400, s18;
	s20 =	smov.u32 s18;
	v6 =	vld [tilespmem:s18+$0xFFFFFFC0];
	v8 =	vmul.f32 $3.200000000e+01, v8;
	[tilespmem:s18+$0x30] =	vst v9  }
.LBB2_6:
0x4a: {  	v9 =	vld [tilespmem:s22+$0x30];
	s21 =	sadd.s32 $0x80, s21;
	[tilespmem:s20+$0xFFFFFFD0] =	vst v7;
	v5 =	vmul.f32 $3.200000000e+01, v5  }
0x4b: {  	v7 =	vld [tilespmem:s22+$0xFFFFFFD0];
	p0 =	slt.u32 s21, $0x380;
	[tilespmem:s20+$0xFFFFFFE0] =	vst v8;
	v3 =	vmul.f32 $3.200000000e+01, v3  }
0x4c: {  	v8 =	vld [tilespmem:s22+$0xFFFFFFE0];
	[tilespmem:s20+$0xFFFFFFF0] =	vst v5;
	v2 =	vmul.f32 $3.200000000e+01, v2  }
.Ltmp1:
0x4d: {  	v5 =	vld [tilespmem:s22+$0xFFFFFFF0];
	[tilespmem:s20+$0x0] =	vst v3;
	v4 =	vmul.f32 $3.200000000e+01, v4;
	(pc) =	sbr.rel @p0 .LBB2_6-.Ltmp1, $4  }
0x4e: {  	v3 =	vld [tilespmem:s22+$0x0];
	v6 =	vmul.f32 $3.200000000e+01, v6;
	[tilespmem:s20+$0x10] =	vst v2  }
0x4f: {  	v2 =	vld [tilespmem:s22+$0x10];
	v9 =	vmul.f32 $3.200000000e+01, v9;
	[tilespmem:s20+$0x20] =	vst v4  }
0x50: {  	v7 =	vmul.f32 $3.200000000e+01, v7;
	v4 =	vld [tilespmem:s22+$0x20];
	[tilespmem:s20+$0xFFFFFFC0] =	vst v6;
	s20 =	smov.u32 s22  }
0x51: {  	s22 =	sadd.s32 $0x400, s22;
	v6 =	vld [tilespmem:s20+$0xFFFFFFC0];
	v8 =	vmul.f32 $3.200000000e+01, v8;
	[tilespmem:s20+$0x30] =	vst v9  }
0x52: {  	[tilespmem:s20+$0xFFFFFFD0] =	vst v7;
	v5 =	vmul.f32 $3.200000000e+01, v5;
	s19 =	sadd.s32 $0x1, s19  }
0x53: {  	[tilespmem:s20+$0xFFFFFFE0] =	vst v8;
	v3 =	vmul.f32 $3.200000000e+01, v3;
	p0 =	sne.s32 s19, $0x8  }
.Ltmp2:
0x54: {  	[tilespmem:s20+$0xFFFFFFF0] =	vst v5;
	v2 =	vmul.f32 $3.200000000e+01, v2;
	(pc) =	sbr.rel @p0 .LBB2_5-.Ltmp2, $4  }
0x55: {  	[tilespmem:s20+$0x0] =	vst v3;
	v3 =	vmul.f32 $3.200000000e+01, v4  }
0x56: {  	v63 =	vmul.f32 $3.200000000e+01, v6;
	[tilespmem:s20+$0x10] =	vst v2  }
0x57: {  	[tilespmem:s20+$0x20] =	vst v3  }
0x58: {  	s18 =	sadd.s32 $0x80, s18;
	[tilespmem:s20+$0xFFFFFFC0] =	vst v63  }
0x59: {  	s18 =	sshll.u32 s14, $0xA;
	s14 =	sadd.s32 $0x1, s14  }
0x5a: {  	p0 =	sne.s32 s14, $0x20  }
.Ltmp3:
0x5b: {  	_ = 	snop;
	(pc) =	sbr.rel @p0 .LBB2_4-.Ltmp3, $4  }
0x5c: {  	_ = 	snop  }
0x5d: {  	s16 =	sadd.s32 $0x10, s16  }
0x5e: {  	s19 =	simm.s32 $0x0;
	s15 =	sadd.s32 $0x2000, s15;
	s18 =	sadd.s32 s18, s8  }
0x5f: {  	[hbm4b:s18+s19] =	stream.linear.scatter [tilespmem:s17], [sflag:s16], $0x2000, $0x38;
	[tilespmem:$0x1E100] =	vst v63  }
0x60: {  	s14 =	simm.s32 $0x11  }
0x61: {  	s14 =	sand.u32 $0xFF, s14  }
0x62: {  	s14 =	smul.u32 $0x89, s14;
	_ =	sdelay $0x1  }
0x63: {  	s14 =	sshrl.u32 s14, $0xB  }
0x64: {  	s15 =	smul.u32 $0xF, s14  }
0x65: {  	s14 =	simm.s32 $0x12  }
0x66: {  	s16 =	sand.u32 $0xFF, s14;
	s15 =	ssub.s32 $0x11, s15  }
0x67: {  	s17 =	smul.u32 $0x89, s16;
	s15 =	sor.u32 $0x10, s15  }
0x68: {  	s16 =	sand.u32 $0xFF, s15  }
0x69: {  	s15 =	simm.s32 $0x2;
	s17 =	sshrl.u32 s17, $0xB;
	_ =	swait.ge [sflag:s16], $0x2000  }
.LBB2_10:
0x6a: {  	s18 =	sadd.s32 $0x11, s15  }
0x6b: {  	s17 =	smul.u32 $0xF, s17;
	[sflag:s16] =	ssyncset.done $0x0;
	p0 =	sne.s32 s15, $0xE  }
.Ltmp4:
0x6c: {  	s19 =	sand.u32 $0xFF, s18;
	[sflag:s16] =	ssyncadd.s32 $0xFFFFE000;
	(pc) =	sbr.rel @p0 .LBB2_10-.Ltmp4, $4  }
0x6d: {  	s15 =	sadd.s32 $0x1, s15;
	s14 =	ssub.s32 s14, s17  }
0x6e: {  	s17 =	smul.u32 $0x89, s19;
	s16 =	sor.u32 $0x10, s14;
	s14 =	smov.u32 s18  }
0x6f: {  	s16 =	sand.u32 $0xFF, s16  }
0x70: {  	s17 =	sshrl.u32 s17, $0xB;
	_ =	swait.ge [sflag:s16], $0x2000  }
0x71: {  	s15 =	smul.u32 $0xF, s17  }
0x72: {  	s13 =	sadd.s32 $0x1, s13  }
0x73: {  	p0 =	sne.s32 s13, s9;
	s14 =	ssub.s32 s14, s15  }
.Ltmp5:
0x74: {  	[sflag:s16] =	ssyncset.done $0x0;
	s14 =	sor.u32 $0x10, s14;
	(pc) =	sbr.rel @p0 .LBB2_1-.Ltmp5, $4  }
0x75: {  	[sflag:s16] =	ssyncadd.s32 $0xFFFFE000;
	s14 =	sand.u32 $0xFF, s14  }
0x76: {  	_ =	swait.ge [sflag:s14], $0x2000  }
0x77: {  	[sflag:s14] =	ssyncset.done $0x0  }
0x78: {  	[sflag:s14] =	ssyncadd.s32 $0xFFFFE000  }
0x79: {  	_ =	sfence.sel $0x180000  }
0x7a: {  	[bflag:$0x0] =	sbarrier.arrive $0xFFFF  }
0x7b: {  	p0 =	sne.s32 s1, $0x0;
	_ =	strace $0x90000047  }
0x7c: {  	s0 =	sadd.s32 @!p0 $0x100000, s0;
	[bflag:$0x2] =	sbarrier.arrive $0xFFFF  }
0x7d: {  	[sflag:s0] =	ssyncadd.tile.s32 @!p0 $0x1;
	_ =	shalt  }
.Lfunc_end2:
_tile_overlayer_lowered:
.L_overlay_start_2:
0x7e: {  	(tag) =	ssettag $0x2  }
0x7f: {  	s0 =	rddreg [dreg:$0x0];
	s2 =	stileid.u32  }
0x80: {  	s1 =	rddreg [dreg:$0x1];
	p0 =	sne.s32 s2, $0x0  }
0x81: {  	s3 =	rddreg [dreg:$0x2];
	[bflag:$0x3] =	sbarrier.arrive $0xFFFF;
	s2 =	simm.s32 @!p0 $0x1C1F  }
0x82: {  	[timem:s3], [sflag:s2] =	dma.local @!p0 [hbm:s0], s1  }
0x83: {  	s0 =	simm.s32 @!p0 $0x1F  }
0x84: {  	_ =	swait.ge @!p0 [sflag:s0], s1  }
0x85: {  	s1 =	ssub.s32 @!p0 $0x0, s1;
	[sflag:s0] =	ssyncset.done @!p0 $0x0  }
0x86: {  	[sflag:s0] =	ssyncadd.s32 @!p0 s1  }
0x87: {  	[bflag:$0x3] =	sbarrier.arrive $0xFFFF  }
0x88: {  	_ =	shalt  }

</sc_bundles>
